<compile_context>
chip_gen: v7x
topology: tpu7x:2x2x1
jax: 0.10.2.dev20260603
libtpu: 0.0.44.dev20260713+nightly
codegen_flags: <defaults>
</compile_context>

<pallas_src>
import functools

import jax
import jax.numpy as jnp
from jax import lax
from jax.experimental import pallas as pl
from jax.experimental.pallas import tpu as pltpu
from jax.experimental.pallas import tpu_sc as plsc

HW = 4096
CH = 32
BZ = 4
QCHUNK = 2048
NCHUNK = HW // QCHUNK
NBAND = QCHUNK // 128
TBL_ROWS = 2 * BZ * HW



def _argmax_body(former_ref, latter_ref, flagrow_ref, flagcol_ref,
                 out_ref, table_ref):
    b = pl.program_id(0)
    i = pl.program_id(1)
    lat = latter_ref[0, 0]
    norm = jnp.sqrt(jnp.sum(lat * lat, axis=0, keepdims=True)) + 1e-8
    lat_n = lat / norm

    neg = flagrow_ref[...].astype(jnp.float32) * jnp.float32(-1e30)
    lat_aug = jnp.concatenate([lat_n, neg], axis=0)
    f = former_ref[0, 0]
    f_aug = jnp.concatenate(
        [f, jnp.ones((1, QCHUNK), jnp.float32)], axis=0)
    cos = lax.dot_general(
        f_aug, lat_aug, (((0,), (0,)), ((), ())),
        preferred_element_type=jnp.float32)

    maxv = jnp.max(cos, axis=1, keepdims=True)
    rev = (jnp.float32(HW) -
           lax.broadcasted_iota(jnp.int32, (1, HW), 1).astype(jnp.float32))
    idx = (jnp.float32(HW) -
           jnp.max(jnp.where(cos == maxv, rev, jnp.float32(0.0)),
                   axis=1, keepdims=True)).astype(jnp.int32)

    hole_q = flagcol_ref[...] > 0
    riota = lax.broadcasted_iota(jnp.int32, (QCHUNK, 1), 0)
    data_idx = ((idx & jnp.int32(-QCHUNK)) * 2
                + ((idx // 512) & (NBAND // 4 - 1)) * 512
                + ((idx & 127) * 4)
                + ((idx // 128) & 3) + b * 2 * HW)
    pad_idx = b * 2 * HW + i * 2 * QCHUNK + QCHUNK + riota
    out_ref[0] = jnp.where(hole_q, data_idx, pad_idx)

    lsl = latter_ref[0, 0, :, pl.ds(i * QCHUNK, QCHUNK)]
    bands = [lsl[:, a * 128:(a + 1) * 128].T for a in range(NBAND)]
    groups = [jnp.concatenate(bands[g * 4:(g + 1) * 4], axis=1)
              for g in range(NBAND // 4)]
    data = jnp.concatenate(groups, axis=0)
    table_ref[...] = jnp.concatenate(
        [data, jnp.zeros_like(data)], axis=0)


def _nn_indices(input3d, flagrow, flagcol):
    inspect = input3d.reshape(BZ, 2, CH, HW)
    return pl.pallas_call(
        _argmax_body,
        grid=(BZ, NCHUNK),
        in_specs=[
            pl.BlockSpec((1, 1, CH, QCHUNK), lambda b, i: (b, 0, 0, i)),
            pl.BlockSpec((1, 1, CH, HW), lambda b, i: (b, 1, 0, 0)),
            pl.BlockSpec((1, HW), lambda b, i: (0, 0)),
            pl.BlockSpec((QCHUNK, 1), lambda b, i: (i, 0)),
        ],
        out_specs=[
            pl.BlockSpec((1, QCHUNK, 1), lambda b, i: (b, i, 0)),
            pl.BlockSpec((2 * QCHUNK * CH // 128, 128),
                         lambda b, i: (b * NCHUNK + i, 0)),
        ],
        out_shape=[
            jax.ShapeDtypeStruct((BZ, HW, 1), jnp.int32),
            jax.ShapeDtypeStruct((TBL_ROWS * CH // 128, 128), jnp.float32),
        ],
    )(inspect, inspect, flagrow, flagcol)



_NC, _NS = 2, 16
_NW = _NC * _NS
_ROWS_PER_W = BZ * HW // _NW
_IDX_LANES = 128
_GATHERS = _ROWS_PER_W // _IDX_LANES


def _sc_gather_body(table_hbm, idx_hbm, out_hbm, idx_v, rows_v, sem):
    wid = lax.axis_index("s") * _NC + lax.axis_index("c")
    pltpu.sync_copy(idx_hbm.at[pl.ds(wid * _GATHERS, _GATHERS)], idx_v)
    copies = [
        pltpu.async_copy(table_hbm.at[idx_v.at[j]],
                         rows_v.at[pl.ds(j * _IDX_LANES, _IDX_LANES)], sem)
        for j in range(_GATHERS)
    ]
    for c in copies:
        c.wait()
    pltpu.sync_copy(rows_v,
                    out_hbm.at[pl.ds(wid * _ROWS_PER_W, _ROWS_PER_W)])


@functools.cache
def _sc_gather_kernel():
    return pl.kernel(
        _sc_gather_body,
        out_type=jax.ShapeDtypeStruct((BZ * HW, CH), jnp.float32),
        mesh=plsc.VectorSubcoreMesh(core_axis_name="c", subcore_axis_name="s"),
        scratch_types=[
            pltpu.VMEM((_GATHERS, _IDX_LANES), jnp.int32),
            pltpu.VMEM((_GATHERS * _IDX_LANES, CH), jnp.float32),
            pltpu.SemaphoreType.DMA,
        ],
        compiler_params=pltpu.CompilerParams(use_tc_tiling_on_sc=False),
    )




@jax.jit
def kernel(input, mask):
    bz, c, h, w = input.shape
    ch = c // 2
    input3d = input.reshape(bz, c, h * w)

    flag = (mask.reshape(1, h * w) >= 1).astype(jnp.int32)
    gidx, table128 = _nn_indices(input3d, flag, flag.reshape(h * w, 1))

    shifted = _sc_gather_kernel()(table128.reshape(TBL_ROWS, ch),
                                  gidx.reshape(-1, _IDX_LANES))
    shift = shifted.reshape(bz, h * w, ch).transpose(0, 2, 1)
    return jnp.concatenate([input, shift.reshape(bz, ch, h, w)], axis=1)

# --- scband reference (transcript-rebuilt; emitter-appended) ---
"""Pipeline reference for scband-inner-shift-single-13030930776852 (READ-ONLY COPY).

The authoritative reference and input builder live on the scoring server;
editing this copy changes nothing except your own understanding.
"""

import jax, jax.numpy as jnp
import numpy as np


def setup_inputs(seed: int = 0) -> dict:
    key = jax.random.key(seed)
    k1, k2 = jax.random.split(key)
    x = jax.random.normal(k1, (4, 64, 64, 64), dtype=jnp.float32)
    mask = jax.random.randint(k2, (64, 64), 0, 2, dtype=jnp.int32)
    return {"input": x, "mask": mask}


def reference(input, mask):
    # InnerShiftSingle with shift_sz=1, stride=1, mask_thred=1:
    # a 1x1 patch is flagged 'masked' iff its mask sum >= 1, so flag == mask.
    bz, c, h, w = input.shape
    hw = h * w
    flag = (mask.reshape(-1) >= 1)  # True = masked (hole) position
    flag_f = flag.astype(input.dtype)

    former = input[:, : c // 2]   # decoder-side features (queries at masked positions)
    latter = input[:, c // 2:]    # encoder-side features (keys/values at unmasked positions)

    former_flat = former.reshape(bz, c // 2, hw).transpose(0, 2, 1)  # [b, hw, c/2]
    latter_flat = latter.reshape(bz, c // 2, hw).transpose(0, 2, 1)  # [b, hw, c/2]
    norm = jnp.sqrt(jnp.sum(latter_flat ** 2, axis=-1, keepdims=True)) + 1e-8
    latter_norm = latter_flat / norm

    def per_batch(f, ln, lf):
        # cosine similarity between every query patch and every (normalized) key patch
        cosine = f @ ln.T                                   # [hw, hw]
        # forbid matching into masked (hole) columns
        cosine = jnp.where(flag[None, :], -jnp.inf, cosine)
        nn_idx = jnp.argmax(cosine, axis=1)                 # 1-NN by max inner product
        shifted = jnp.take(lf, nn_idx, axis=0)              # gather encoder features [hw, c/2]
        shifted = shifted * flag_f[:, None]                 # only fill masked rows; zeros elsewhere
        return shifted

    shift = jax.vmap(per_batch)(former_flat, latter_norm, latter_flat)  # [b, hw, c/2]
    shift = shift.transpose(0, 2, 1).reshape(bz, c // 2, h, w)
    # final_out = cat(input, shifted) -> [b, 3c/2, h, w]
    return jnp.concatenate([input, shift], axis=1)

if __name__ == "__main__":
    import jax
    _d = setup_inputs()
    print(jax.jit(kernel)(*tuple(_d.values())))

</pallas_src>

<mosaic_0001>
#map = affine_map<(d0, d1) -> (0, 0)>
module attributes {stable_mosaic.version = 14 : i64} {
  func.func @_sc_gather_body(%arg0: i32, %arg1: i32, %arg2: memref<32768x32xf32, #tpu.memory_space<hbm>>, %arg3: memref<128x128xi32, #tpu.memory_space<hbm>>, %arg4: memref<16384x32xf32, #tpu.memory_space<hbm>>, %arg5: memref<4x128xi32, #tpu.memory_space<vmem>>, %arg6: memref<512x32xf32, #tpu.memory_space<vmem>>, %arg7: memref<!tpu.dma_semaphore, #tpu.memory_space<semaphore_mem>>) attributes {dimension_semantics = [#tpu.dimension_semantics<core_parallel>, #tpu.dimension_semantics<subcore_parallel>], iteration_bounds = array<i64: 2, 16>, scalar_prefetch = 0 : i64, scratch_operands = 3 : i64, tpu.core_type = #tpu.core_type<sc_vector_subcore>, window_params = [{transform_indices = #map}, {transform_indices = #map}, {transform_indices = #map}]} {
    %mul3A = arith.constant 2 : i32
    %mul3A_0 = arith.muli %arg1, %mul3A : i32
    %add3A = arith.addi %mul3A_0, %arg0 : i32
    %mul3A_1 = arith.constant 4 : i32
    %mul3A_2 = arith.muli %add3A, %mul3A_1 : i32
    "tpu.region"() ({
      %run_scoped3A = tpu.sem_alloc : memref<!tpu.dma_semaphore, #tpu.memory_space<semaphore_mem>>
      %dma_start3A_83 = arith.constant 0 : i32
      %dma_start3A_84 = tpu.memref_slice %arg3[%mul3A_2, %dma_start3A_83] : memref<128x128xi32, #tpu.memory_space<hbm>> -> memref<4x128xi32, #tpu.memory_space<hbm>>
      %dma_start3A_85 = arith.constant 0 : i32
      %dma_start3A_86 = tpu.memref_slice %arg3[%mul3A_2, %dma_start3A_85] : memref<128x128xi32, #tpu.memory_space<hbm>> -> memref<4x128xi32, #tpu.memory_space<hbm>>
      tpu.enqueue_dma source(%dma_start3A_86 : memref<4x128xi32, #tpu.memory_space<hbm>>) target(%arg5 : memref<4x128xi32, #tpu.memory_space<vmem>>) target_semaphore(%run_scoped3A : memref<!tpu.dma_semaphore, #tpu.memory_space<semaphore_mem>>)
      %dma_wait3A_87 = arith.constant 0 : i32
      %dma_wait3A_88 = tpu.memref_slice %arg3[%mul3A_2, %dma_wait3A_87] : memref<128x128xi32, #tpu.memory_space<hbm>> -> memref<4x128xi32, #tpu.memory_space<hbm>>
      %dma_wait3A_89 = arith.constant 0 : i32
      %dma_wait3A_90 = tpu.memref_slice %arg3[%mul3A_2, %dma_wait3A_89] : memref<128x128xi32, #tpu.memory_space<hbm>> -> memref<4x128xi32, #tpu.memory_space<hbm>>
      tpu.wait_dma2 semaphore(%run_scoped3A : memref<!tpu.dma_semaphore, #tpu.memory_space<semaphore_mem>>) src(%dma_wait3A_90 : memref<4x128xi32, #tpu.memory_space<hbm>>) dst(%arg5 : memref<4x128xi32, #tpu.memory_space<vmem>>)
      tpu.yield
    }) : () -> ()
    %dma_start3A = arith.constant 0 : i32
    %dma_start3A_3 = arith.constant 0 : i32
    %dma_start3A_4 = arith.constant 0 : i32
    %dma_start3A_5 = tpu.memref_slice %arg6[%dma_start3A_3, %dma_start3A_4] : memref<512x32xf32, #tpu.memory_space<vmem>> -> memref<128x32xf32, #tpu.memory_space<vmem>>
    %dma_start3A_6 = arith.constant 0 : i32
    %dma_start3A_7 = tpu.memref_slice %arg5[%dma_start3A, %dma_start3A_6] : memref<4x128xi32, #tpu.memory_space<vmem>> -> memref<1x128xi32, #tpu.memory_space<vmem>>
    %dma_start3A_8 = tpu.memref_squeeze %dma_start3A_7 : memref<1x128xi32, #tpu.memory_space<vmem>> -> memref<128xi32, #tpu.memory_space<vmem>>
    %dma_start3A_9 = arith.constant 0 : i32
    %dma_start3A_10 = arith.constant 0 : i32
    %dma_start3A_11 = tpu.memref_slice %arg2[%dma_start3A_9, %dma_start3A_10] : memref<32768x32xf32, #tpu.memory_space<hbm>> -> memref<32768x32xf32, #tpu.memory_space<hbm>>
    tpu.enqueue_indirect_dma source(%dma_start3A_11 : memref<32768x32xf32, #tpu.memory_space<hbm>>) target(%dma_start3A_5 : memref<128x32xf32, #tpu.memory_space<vmem>>) offsets(%dma_start3A_8 : memref<128xi32, #tpu.memory_space<vmem>>) semaphore(%arg7 : memref<!tpu.dma_semaphore, #tpu.memory_space<semaphore_mem>>)
    %dma_start3A_12 = arith.constant 1 : i32
    %dma_start3A_13 = arith.constant 128 : i32
    %dma_start3A_14 = arith.constant 0 : i32
    %dma_start3A_15 = tpu.memref_slice %arg6[%dma_start3A_13, %dma_start3A_14] : memref<512x32xf32, #tpu.memory_space<vmem>> -> memref<128x32xf32, #tpu.memory_space<vmem>>
    %dma_start3A_16 = arith.constant 0 : i32
    %dma_start3A_17 = tpu.memref_slice %arg5[%dma_start3A_12, %dma_start3A_16] : memref<4x128xi32, #tpu.memory_space<vmem>> -> memref<1x128xi32, #tpu.memory_space<vmem>>
    %dma_start3A_18 = tpu.memref_squeeze %dma_start3A_17 : memref<1x128xi32, #tpu.memory_space<vmem>> -> memref<128xi32, #tpu.memory_space<vmem>>
    %dma_start3A_19 = arith.constant 0 : i32
    %dma_start3A_20 = arith.constant 0 : i32
    %dma_start3A_21 = tpu.memref_slice %arg2[%dma_start3A_19, %dma_start3A_20] : memref<32768x32xf32, #tpu.memory_space<hbm>> -> memref<32768x32xf32, #tpu.memory_space<hbm>>
    tpu.enqueue_indirect_dma source(%dma_start3A_21 : memref<32768x32xf32, #tpu.memory_space<hbm>>) target(%dma_start3A_15 : memref<128x32xf32, #tpu.memory_space<vmem>>) offsets(%dma_start3A_18 : memref<128xi32, #tpu.memory_space<vmem>>) semaphore(%arg7 : memref<!tpu.dma_semaphore, #tpu.memory_space<semaphore_mem>>)
    %dma_start3A_22 = arith.constant 2 : i32
    %dma_start3A_23 = arith.constant 256 : i32
    %dma_start3A_24 = arith.constant 0 : i32
    %dma_start3A_25 = tpu.memref_slice %arg6[%dma_start3A_23, %dma_start3A_24] : memref<512x32xf32, #tpu.memory_space<vmem>> -> memref<128x32xf32, #tpu.memory_space<vmem>>
    %dma_start3A_26 = arith.constant 0 : i32
    %dma_start3A_27 = tpu.memref_slice %arg5[%dma_start3A_22, %dma_start3A_26] : memref<4x128xi32, #tpu.memory_space<vmem>> -> memref<1x128xi32, #tpu.memory_space<vmem>>
    %dma_start3A_28 = tpu.memref_squeeze %dma_start3A_27 : memref<1x128xi32, #tpu.memory_space<vmem>> -> memref<128xi32, #tpu.memory_space<vmem>>
    %dma_start3A_29 = arith.constant 0 : i32
    %dma_start3A_30 = arith.constant 0 : i32
    %dma_start3A_31 = tpu.memref_slice %arg2[%dma_start3A_29, %dma_start3A_30] : memref<32768x32xf32, #tpu.memory_space<hbm>> -> memref<32768x32xf32, #tpu.memory_space<hbm>>
    tpu.enqueue_indirect_dma source(%dma_start3A_31 : memref<32768x32xf32, #tpu.memory_space<hbm>>) target(%dma_start3A_25 : memref<128x32xf32, #tpu.memory_space<vmem>>) offsets(%dma_start3A_28 : memref<128xi32, #tpu.memory_space<vmem>>) semaphore(%arg7 : memref<!tpu.dma_semaphore, #tpu.memory_space<semaphore_mem>>)
    %dma_start3A_32 = arith.constant 3 : i32
    %dma_start3A_33 = arith.constant 384 : i32
    %dma_start3A_34 = arith.constant 0 : i32
    %dma_start3A_35 = tpu.memref_slice %arg6[%dma_start3A_33, %dma_start3A_34] : memref<512x32xf32, #tpu.memory_space<vmem>> -> memref<128x32xf32, #tpu.memory_space<vmem>>
    %dma_start3A_36 = arith.constant 0 : i32
    %dma_start3A_37 = tpu.memref_slice %arg5[%dma_start3A_32, %dma_start3A_36] : memref<4x128xi32, #tpu.memory_space<vmem>> -> memref<1x128xi32, #tpu.memory_space<vmem>>
    %dma_start3A_38 = tpu.memref_squeeze %dma_start3A_37 : memref<1x128xi32, #tpu.memory_space<vmem>> -> memref<128xi32, #tpu.memory_space<vmem>>
    %dma_start3A_39 = arith.constant 0 : i32
    %dma_start3A_40 = arith.constant 0 : i32
    %dma_start3A_41 = tpu.memref_slice %arg2[%dma_start3A_39, %dma_start3A_40] : memref<32768x32xf32, #tpu.memory_space<hbm>> -> memref<32768x32xf32, #tpu.memory_space<hbm>>
    tpu.enqueue_indirect_dma source(%dma_start3A_41 : memref<32768x32xf32, #tpu.memory_space<hbm>>) target(%dma_start3A_35 : memref<128x32xf32, #tpu.memory_space<vmem>>) offsets(%dma_start3A_38 : memref<128xi32, #tpu.memory_space<vmem>>) semaphore(%arg7 : memref<!tpu.dma_semaphore, #tpu.memory_space<semaphore_mem>>)
    %dma_wait3A = arith.constant 0 : i32
    %dma_wait3A_42 = arith.constant 0 : i32
    %dma_wait3A_43 = arith.constant 0 : i32
    %dma_wait3A_44 = tpu.memref_slice %arg6[%dma_wait3A_42, %dma_wait3A_43] : memref<512x32xf32, #tpu.memory_space<vmem>> -> memref<128x32xf32, #tpu.memory_space<vmem>>
    %dma_wait3A_45 = arith.constant 0 : i32
    %dma_wait3A_46 = tpu.memref_slice %arg5[%dma_wait3A, %dma_wait3A_45] : memref<4x128xi32, #tpu.memory_space<vmem>> -> memref<1x128xi32, #tpu.memory_space<vmem>>
    %dma_wait3A_47 = tpu.memref_squeeze %dma_wait3A_46 : memref<1x128xi32, #tpu.memory_space<vmem>> -> memref<128xi32, #tpu.memory_space<vmem>>
    %dma_wait3A_48 = arith.constant 0 : i32
    %dma_wait3A_49 = arith.constant 0 : i32
    %dma_wait3A_50 = tpu.memref_slice %arg2[%dma_wait3A_48, %dma_wait3A_49] : memref<32768x32xf32, #tpu.memory_space<hbm>> -> memref<32768x32xf32, #tpu.memory_space<hbm>>
    tpu.wait_indirect_dma semaphore(%arg7 : memref<!tpu.dma_semaphore, #tpu.memory_space<semaphore_mem>>) src(%dma_wait3A_50 : memref<32768x32xf32, #tpu.memory_space<hbm>>) dst(%dma_wait3A_44 : memref<128x32xf32, #tpu.memory_space<vmem>>)
    %dma_wait3A_51 = arith.constant 1 : i32
    %dma_wait3A_52 = arith.constant 128 : i32
    %dma_wait3A_53 = arith.constant 0 : i32
    %dma_wait3A_54 = tpu.memref_slice %arg6[%dma_wait3A_52, %dma_wait3A_53] : memref<512x32xf32, #tpu.memory_space<vmem>> -> memref<128x32xf32, #tpu.memory_space<vmem>>
    %dma_wait3A_55 = arith.constant 0 : i32
    %dma_wait3A_56 = tpu.memref_slice %arg5[%dma_wait3A_51, %dma_wait3A_55] : memref<4x128xi32, #tpu.memory_space<vmem>> -> memref<1x128xi32, #tpu.memory_space<vmem>>
    %dma_wait3A_57 = tpu.memref_squeeze %dma_wait3A_56 : memref<1x128xi32, #tpu.memory_space<vmem>> -> memref<128xi32, #tpu.memory_space<vmem>>
    %dma_wait3A_58 = arith.constant 0 : i32
    %dma_wait3A_59 = arith.constant 0 : i32
    %dma_wait3A_60 = tpu.memref_slice %arg2[%dma_wait3A_58, %dma_wait3A_59] : memref<32768x32xf32, #tpu.memory_space<hbm>> -> memref<32768x32xf32, #tpu.memory_space<hbm>>
    tpu.wait_indirect_dma semaphore(%arg7 : memref<!tpu.dma_semaphore, #tpu.memory_space<semaphore_mem>>) src(%dma_wait3A_60 : memref<32768x32xf32, #tpu.memory_space<hbm>>) dst(%dma_wait3A_54 : memref<128x32xf32, #tpu.memory_space<vmem>>)
    %dma_wait3A_61 = arith.constant 2 : i32
    %dma_wait3A_62 = arith.constant 256 : i32
    %dma_wait3A_63 = arith.constant 0 : i32
    %dma_wait3A_64 = tpu.memref_slice %arg6[%dma_wait3A_62, %dma_wait3A_63] : memref<512x32xf32, #tpu.memory_space<vmem>> -> memref<128x32xf32, #tpu.memory_space<vmem>>
    %dma_wait3A_65 = arith.constant 0 : i32
    %dma_wait3A_66 = tpu.memref_slice %arg5[%dma_wait3A_61, %dma_wait3A_65] : memref<4x128xi32, #tpu.memory_space<vmem>> -> memref<1x128xi32, #tpu.memory_space<vmem>>
    %dma_wait3A_67 = tpu.memref_squeeze %dma_wait3A_66 : memref<1x128xi32, #tpu.memory_space<vmem>> -> memref<128xi32, #tpu.memory_space<vmem>>
    %dma_wait3A_68 = arith.constant 0 : i32
    %dma_wait3A_69 = arith.constant 0 : i32
    %dma_wait3A_70 = tpu.memref_slice %arg2[%dma_wait3A_68, %dma_wait3A_69] : memref<32768x32xf32, #tpu.memory_space<hbm>> -> memref<32768x32xf32, #tpu.memory_space<hbm>>
    tpu.wait_indirect_dma semaphore(%arg7 : memref<!tpu.dma_semaphore, #tpu.memory_space<semaphore_mem>>) src(%dma_wait3A_70 : memref<32768x32xf32, #tpu.memory_space<hbm>>) dst(%dma_wait3A_64 : memref<128x32xf32, #tpu.memory_space<vmem>>)
    %dma_wait3A_71 = arith.constant 3 : i32
    %dma_wait3A_72 = arith.constant 384 : i32
    %dma_wait3A_73 = arith.constant 0 : i32
    %dma_wait3A_74 = tpu.memref_slice %arg6[%dma_wait3A_72, %dma_wait3A_73] : memref<512x32xf32, #tpu.memory_space<vmem>> -> memref<128x32xf32, #tpu.memory_space<vmem>>
    %dma_wait3A_75 = arith.constant 0 : i32
    %dma_wait3A_76 = tpu.memref_slice %arg5[%dma_wait3A_71, %dma_wait3A_75] : memref<4x128xi32, #tpu.memory_space<vmem>> -> memref<1x128xi32, #tpu.memory_space<vmem>>
    %dma_wait3A_77 = tpu.memref_squeeze %dma_wait3A_76 : memref<1x128xi32, #tpu.memory_space<vmem>> -> memref<128xi32, #tpu.memory_space<vmem>>
    %dma_wait3A_78 = arith.constant 0 : i32
    %dma_wait3A_79 = arith.constant 0 : i32
    %dma_wait3A_80 = tpu.memref_slice %arg2[%dma_wait3A_78, %dma_wait3A_79] : memref<32768x32xf32, #tpu.memory_space<hbm>> -> memref<32768x32xf32, #tpu.memory_space<hbm>>
    tpu.wait_indirect_dma semaphore(%arg7 : memref<!tpu.dma_semaphore, #tpu.memory_space<semaphore_mem>>) src(%dma_wait3A_80 : memref<32768x32xf32, #tpu.memory_space<hbm>>) dst(%dma_wait3A_74 : memref<128x32xf32, #tpu.memory_space<vmem>>)
    %mul3A_81 = arith.constant 512 : i32
    %mul3A_82 = arith.muli %add3A, %mul3A_81 : i32
    "tpu.region"() ({
      %run_scoped3A = tpu.sem_alloc : memref<!tpu.dma_semaphore, #tpu.memory_space<semaphore_mem>>
      %dma_start3A_83 = arith.constant 0 : i32
      %dma_start3A_84 = tpu.memref_slice %arg4[%mul3A_82, %dma_start3A_83] : memref<16384x32xf32, #tpu.memory_space<hbm>> -> memref<512x32xf32, #tpu.memory_space<hbm>>
      %dma_start3A_85 = arith.constant 0 : i32
      %dma_start3A_86 = tpu.memref_slice %arg4[%mul3A_82, %dma_start3A_85] : memref<16384x32xf32, #tpu.memory_space<hbm>> -> memref<512x32xf32, #tpu.memory_space<hbm>>
      tpu.enqueue_dma source(%arg6 : memref<512x32xf32, #tpu.memory_space<vmem>>) target(%dma_start3A_86 : memref<512x32xf32, #tpu.memory_space<hbm>>) target_semaphore(%run_scoped3A : memref<!tpu.dma_semaphore, #tpu.memory_space<semaphore_mem>>)
      %dma_wait3A_87 = arith.constant 0 : i32
      %dma_wait3A_88 = tpu.memref_slice %arg4[%mul3A_82, %dma_wait3A_87] : memref<16384x32xf32, #tpu.memory_space<hbm>> -> memref<512x32xf32, #tpu.memory_space<hbm>>
      %dma_wait3A_89 = arith.constant 0 : i32
      %dma_wait3A_90 = tpu.memref_slice %arg4[%mul3A_82, %dma_wait3A_89] : memref<16384x32xf32, #tpu.memory_space<hbm>> -> memref<512x32xf32, #tpu.memory_space<hbm>>
      tpu.wait_dma2 semaphore(%run_scoped3A : memref<!tpu.dma_semaphore, #tpu.memory_space<semaphore_mem>>) src(%arg6 : memref<512x32xf32, #tpu.memory_space<vmem>>) dst(%dma_wait3A_90 : memref<512x32xf32, #tpu.memory_space<hbm>>)
      tpu.yield
    }) : () -> ()
    return
  }
}

module attributes {stable_mosaic.version = 14 : i64} {
  func.func @_argmax_body(%arg0: i32, %arg1: i32, %arg2: memref<1x1x32x2048xf32, #tpu.memory_space<vmem>>, %arg3: memref<1x1x32x4096xf32, #tpu.memory_space<vmem>>, %arg4: memref<1x4096xi32, #tpu.memory_space<vmem>>, %arg5: memref<2048x1xi32, #tpu.memory_space<vmem>>, %arg6: memref<1x2048x1xi32, #tpu.memory_space<vmem>>, %arg7: memref<1024x128xf32, #tpu.memory_space<vmem>>) attributes {dimension_semantics = [#tpu.dimension_semantics<arbitrary>, #tpu.dimension_semantics<arbitrary>], iteration_bounds = array<i64: 4, 2>, scalar_prefetch = 0 : i64, scratch_operands = 0 : i64, tpu.core_type = #tpu.core_type<tc>, window_params = [{transform_indices = @transform_0, window_bounds = array<i64: 1, 1, 32, 2048>}, {transform_indices = @transform_1, window_bounds = array<i64: 1, 1, 32, 4096>}, {pipeline_mode = #tpu.pipeline_mode<synchronous>, transform_indices = @transform_2, window_bounds = array<i64: 1, 4096>}, {transform_indices = @transform_3, window_bounds = array<i64: 2048, 1>}, {transform_indices = @transform_4, window_bounds = array<i64: 1, 2048, 1>}, {transform_indices = @transform_5, window_bounds = array<i64: 1024, 128>}]} {
    %get3A = arith.constant 0 : index
    %get3A_0 = arith.constant 0 : index
    %get3A_1 = arith.constant 0 : index
    %get3A_2 = arith.constant 0 : index
    %get3A_3 = vector.load %arg3[%get3A, %get3A_0, %get3A_1, %get3A_2] : memref<1x1x32x4096xf32, #tpu.memory_space<vmem>>, vector<1x1x32x4096xf32>
    %get3A_4 = vector.shape_cast %get3A_3 : vector<1x1x32x4096xf32> to vector<32x4096xf32>
    %mul3A = arith.mulf %get3A_4, %get3A_4 : vector<32x4096xf32>
    %reduce_sum3A = arith.constant dense<0.000000e+00> : vector<4096xf32>
    %reduce_sum3A_5 = vector.multi_reduction <add>, %mul3A, %reduce_sum3A [0] : vector<32x4096xf32> to vector<4096xf32>
    %broadcast_in_dim3A = vector.shape_cast %reduce_sum3A_5 : vector<4096xf32> to vector<1x4096xf32>
    %sqrt3A = math.sqrt %broadcast_in_dim3A : vector<1x4096xf32>
    %add3A = arith.constant 9.99999993E-9 : f32
    %add3A_6 = vector.broadcast %add3A : f32 to vector<1x4096xf32>
    %add3A_7 = arith.addf %sqrt3A, %add3A_6 : vector<1x4096xf32>
    %div3A = vector.broadcast %add3A_7 : vector<1x4096xf32> to vector<32x4096xf32>
    %div3A_8 = arith.divf %get3A_4, %div3A : vector<32x4096xf32>
    %get3A_9 = arith.constant 0 : index
    %get3A_10 = arith.constant 0 : index
    %get3A_11 = vector.load %arg4[%get3A_9, %get3A_10] : memref<1x4096xi32, #tpu.memory_space<vmem>>, vector<1x4096xi32>
    %convert_element_type3A = arith.sitofp %get3A_11 : vector<1x4096xi32> to vector<1x4096xf32>
    %mul3A_12 = arith.constant -1.000000e+30 : f32
    %mul3A_13 = vector.broadcast %mul3A_12 : f32 to vector<1x4096xf32>
    %mul3A_14 = arith.mulf %convert_element_type3A, %mul3A_13 : vector<1x4096xf32>
    %concatenate3A = tpu.concatenate %div3A_8, %mul3A_14 in 0 : vector<32x4096xf32>, vector<1x4096xf32> -> vector<33x4096xf32>
    %get3A_15 = arith.constant 0 : index
    %get3A_16 = arith.constant 0 : index
    %get3A_17 = arith.constant 0 : index
    %get3A_18 = arith.constant 0 : index
    %get3A_19 = vector.load %arg2[%get3A_15, %get3A_16, %get3A_17, %get3A_18] : memref<1x1x32x2048xf32, #tpu.memory_space<vmem>>, vector<1x1x32x2048xf32>
    %get3A_20 = vector.shape_cast %get3A_19 : vector<1x1x32x2048xf32> to vector<32x2048xf32>
    %broadcast_in_dim3A_21 = arith.constant 1.000000e+00 : f32
    %broadcast_in_dim3A_22 = vector.broadcast %broadcast_in_dim3A_21 : f32 to vector<1x2048xf32>
    %concatenate3A_23 = tpu.concatenate %get3A_20, %broadcast_in_dim3A_22 in 0 : vector<32x2048xf32>, vector<1x2048xf32> -> vector<33x2048xf32>
    %dot_general3A = arith.constant dense<0.000000e+00> : vector<2048x4096xf32>
    %dot_general3A_24 = tpu.matmul %concatenate3A_23, %concatenate3A, %dot_general3A {dimension_numbers = #tpu.dot_dimension_numbers<[0], [0], [1], [1], [0, 1, 1, 1], [], []>, transpose_lhs_hint = false} : vector<33x2048xf32>, vector<33x4096xf32>, vector<2048x4096xf32> -> vector<2048x4096xf32>
    %reduce_max3A = arith.constant dense<0xFF800000> : vector<2048xf32>
    %reduce_max3A_25 = vector.multi_reduction <maximumf>, %dot_general3A_24, %reduce_max3A [1] : vector<2048x4096xf32> to vector<2048xf32>
    %broadcast_in_dim3A_26 = vector.shape_cast %reduce_max3A_25 : vector<2048xf32> to vector<2048x1xf32>
    %iota3A = tpu.iota {dimensions = array<i32: 1>} : vector<1x4096xi32>
    %convert_element_type3A_27 = arith.sitofp %iota3A : vector<1x4096xi32> to vector<1x4096xf32>
    %sub3A = arith.constant 4.096000e+03 : f32
    %sub3A_28 = vector.broadcast %sub3A : f32 to vector<1x4096xf32>
    %sub3A_29 = arith.subf %sub3A_28, %convert_element_type3A_27 : vector<1x4096xf32>
    %eq3A = vector.broadcast %broadcast_in_dim3A_26 : vector<2048x1xf32> to vector<2048x4096xf32>
    %eq3A_30 = arith.cmpf oeq, %dot_general3A_24, %eq3A : vector<2048x4096xf32>
    %jit3A = arith.constant 0.000000e+00 : f32
    %broadcast_in_dim3A_31 = vector.shape_cast %sub3A_29 : vector<1x4096xf32> to vector<1x4096xf32>
    %broadcast_in_dim3A_32 = vector.broadcast %broadcast_in_dim3A_31 : vector<1x4096xf32> to vector<2048x4096xf32>
    %broadcast_in_dim3A_33 = vector.broadcast %jit3A : f32 to vector<2048x4096xf32>
    %select_n3A = arith.select %eq3A_30, %broadcast_in_dim3A_32, %broadcast_in_dim3A_33 : vector<2048x4096xi1>, vector<2048x4096xf32>
    %reduce_max3A_34 = arith.constant dense<0xFF800000> : vector<2048xf32>
    %reduce_max3A_35 = vector.multi_reduction <maximumf>, %select_n3A, %reduce_max3A_34 [1] : vector<2048x4096xf32> to vector<2048xf32>
    %broadcast_in_dim3A_36 = vector.shape_cast %reduce_max3A_35 : vector<2048xf32> to vector<2048x1xf32>
    %sub3A_37 = arith.constant 4.096000e+03 : f32
    %sub3A_38 = vector.broadcast %sub3A_37 : f32 to vector<2048x1xf32>
    %sub3A_39 = arith.subf %sub3A_38, %broadcast_in_dim3A_36 : vector<2048x1xf32>
    %convert_element_type3A_40 = arith.fptosi %sub3A_39 : vector<2048x1xf32> to vector<2048x1xi32>
    %get3A_41 = arith.constant 0 : index
    %get3A_42 = arith.constant 0 : index
    %get3A_43 = vector.load %arg5[%get3A_41, %get3A_42] : memref<2048x1xi32, #tpu.memory_space<vmem>>, vector<2048x1xi32>
    %gt3A = arith.constant 0 : i32
    %gt3A_44 = vector.broadcast %gt3A : i32 to vector<2048x1xi32>
    %gt3A_45 = arith.cmpi sgt, %get3A_43, %gt3A_44 : vector<2048x1xi32>
    %iota3A_46 = tpu.iota {dimensions = array<i32: 0>} : vector<2048x1xi32>
    %and3A = arith.constant -2048 : i32
    %and3A_47 = vector.broadcast %and3A : i32 to vector<2048x1xi32>
    %and3A_48 = arith.andi %convert_element_type3A_40, %and3A_47 : vector<2048x1xi32>
    %mul3A_49 = arith.constant 2 : i32
    %mul3A_50 = vector.broadcast %mul3A_49 : i32 to vector<2048x1xi32>
    %mul3A_51 = arith.muli %and3A_48, %mul3A_50 : vector<2048x1xi32>
    %jit3A_52 = arith.constant 512 : i32
    %div3A_53 = vector.broadcast %jit3A_52 : i32 to vector<2048x1xi32>
    %div3A_54 = arith.divsi %convert_element_type3A_40, %div3A_53 : vector<2048x1xi32>
    %sign3A = arith.constant 0 : i32
    %sign3A_55 = vector.broadcast %sign3A : i32 to vector<2048x1xi32>
    %sign3A_56 = arith.cmpi sgt, %convert_element_type3A_40, %sign3A_55 : vector<2048x1xi32>
    %sign3A_57 = arith.extui %sign3A_56 : vector<2048x1xi1> to vector<2048x1xi32>
    %sign3A_58 = arith.constant 0 : i32
    %sign3A_59 = vector.broadcast %sign3A_58 : i32 to vector<2048x1xi32>
    %sign3A_60 = arith.cmpi slt, %convert_element_type3A_40, %sign3A_59 : vector<2048x1xi32>
    %sign3A_61 = arith.extui %sign3A_60 : vector<2048x1xi1> to vector<2048x1xi32>
    %sign3A_62 = arith.subi %sign3A_57, %sign3A_61 : vector<2048x1xi32>
    %sign3A_63 = arith.constant 0 : i32
    %sign3A_64 = arith.cmpi sgt, %jit3A_52, %sign3A_63 : i32
    %sign3A_65 = arith.extui %sign3A_64 : i1 to i32
    %sign3A_66 = arith.constant 0 : i32
    %sign3A_67 = arith.cmpi slt, %jit3A_52, %sign3A_66 : i32
    %sign3A_68 = arith.extui %sign3A_67 : i1 to i32
    %sign3A_69 = arith.subi %sign3A_65, %sign3A_68 : i32
    %ne3A = vector.broadcast %sign3A_69 : i32 to vector<2048x1xi32>
    %ne3A_70 = arith.cmpi ne, %sign3A_62, %ne3A : vector<2048x1xi32>
    %rem3A = vector.broadcast %jit3A_52 : i32 to vector<2048x1xi32>
    %rem3A_71 = arith.remsi %convert_element_type3A_40, %rem3A : vector<2048x1xi32>
    %ne3A_72 = arith.constant 0 : i32
    %ne3A_73 = vector.broadcast %ne3A_72 : i32 to vector<2048x1xi32>
    %ne3A_74 = arith.cmpi ne, %rem3A_71, %ne3A_73 : vector<2048x1xi32>
    %and3A_75 = arith.andi %ne3A_70, %ne3A_74 : vector<2048x1xi1>
    %sub3A_76 = arith.constant 1 : i32
    %sub3A_77 = vector.broadcast %sub3A_76 : i32 to vector<2048x1xi32>
    %sub3A_78 = arith.subi %div3A_54, %sub3A_77 : vector<2048x1xi32>
    %select_n3A_79 = arith.select %and3A_75, %sub3A_78, %div3A_54 : vector<2048x1xi1>, vector<2048x1xi32>
    %and3A_80 = arith.constant 3 : i32
    %and3A_81 = vector.broadcast %and3A_80 : i32 to vector<2048x1xi32>
    %and3A_82 = arith.andi %select_n3A_79, %and3A_81 : vector<2048x1xi32>
    %mul3A_83 = arith.constant 512 : i32
    %mul3A_84 = vector.broadcast %mul3A_83 : i32 to vector<2048x1xi32>
    %mul3A_85 = arith.muli %and3A_82, %mul3A_84 : vector<2048x1xi32>
    %add3A_86 = arith.addi %mul3A_51, %mul3A_85 : vector<2048x1xi32>
    %and3A_87 = arith.constant 127 : i32
    %and3A_88 = vector.broadcast %and3A_87 : i32 to vector<2048x1xi32>
    %and3A_89 = arith.andi %convert_element_type3A_40, %and3A_88 : vector<2048x1xi32>
    %mul3A_90 = arith.constant 4 : i32
    %mul3A_91 = vector.broadcast %mul3A_90 : i32 to vector<2048x1xi32>
    %mul3A_92 = arith.muli %and3A_89, %mul3A_91 : vector<2048x1xi32>
    %add3A_93 = arith.addi %add3A_86, %mul3A_92 : vector<2048x1xi32>
    %jit3A_94 = arith.constant 128 : i32
    %div3A_95 = vector.broadcast %jit3A_94 : i32 to vector<2048x1xi32>
    %div3A_96 = arith.divsi %convert_element_type3A_40, %div3A_95 : vector<2048x1xi32>
    %sign3A_97 = arith.constant 0 : i32
    %sign3A_98 = vector.broadcast %sign3A_97 : i32 to vector<2048x1xi32>
    %sign3A_99 = arith.cmpi sgt, %convert_element_type3A_40, %sign3A_98 : vector<2048x1xi32>
    %sign3A_100 = arith.extui %sign3A_99 : vector<2048x1xi1> to vector<2048x1xi32>
    %sign3A_101 = arith.constant 0 : i32
    %sign3A_102 = vector.broadcast %sign3A_101 : i32 to vector<2048x1xi32>
    %sign3A_103 = arith.cmpi slt, %convert_element_type3A_40, %sign3A_102 : vector<2048x1xi32>
    %sign3A_104 = arith.extui %sign3A_103 : vector<2048x1xi1> to vector<2048x1xi32>
    %sign3A_105 = arith.subi %sign3A_100, %sign3A_104 : vector<2048x1xi32>
    %sign3A_106 = arith.constant 0 : i32
    %sign3A_107 = arith.cmpi sgt, %jit3A_94, %sign3A_106 : i32
    %sign3A_108 = arith.extui %sign3A_107 : i1 to i32
    %sign3A_109 = arith.constant 0 : i32
    %sign3A_110 = arith.cmpi slt, %jit3A_94, %sign3A_109 : i32
    %sign3A_111 = arith.extui %sign3A_110 : i1 to i32
    %sign3A_112 = arith.subi %sign3A_108, %sign3A_111 : i32
    %ne3A_113 = vector.broadcast %sign3A_112 : i32 to vector<2048x1xi32>
    %ne3A_114 = arith.cmpi ne, %sign3A_105, %ne3A_113 : vector<2048x1xi32>
    %rem3A_115 = vector.broadcast %jit3A_94 : i32 to vector<2048x1xi32>
    %rem3A_116 = arith.remsi %convert_element_type3A_40, %rem3A_115 : vector<2048x1xi32>
    %ne3A_117 = arith.constant 0 : i32
    %ne3A_118 = vector.broadcast %ne3A_117 : i32 to vector<2048x1xi32>
    %ne3A_119 = arith.cmpi ne, %rem3A_116, %ne3A_118 : vector<2048x1xi32>
    %and3A_120 = arith.andi %ne3A_114, %ne3A_119 : vector<2048x1xi1>
    %sub3A_121 = arith.constant 1 : i32
    %sub3A_122 = vector.broadcast %sub3A_121 : i32 to vector<2048x1xi32>
    %sub3A_123 = arith.subi %div3A_96, %sub3A_122 : vector<2048x1xi32>
    %select_n3A_124 = arith.select %and3A_120, %sub3A_123, %div3A_96 : vector<2048x1xi1>, vector<2048x1xi32>
    %and3A_125 = arith.constant 3 : i32
    %and3A_126 = vector.broadcast %and3A_125 : i32 to vector<2048x1xi32>
    %and3A_127 = arith.andi %select_n3A_124, %and3A_126 : vector<2048x1xi32>
    %add3A_128 = arith.addi %add3A_93, %and3A_127 : vector<2048x1xi32>
    %mul3A_129 = arith.constant 2 : i32
    %mul3A_130 = arith.muli %arg0, %mul3A_129 : i32
    %mul3A_131 = arith.constant 4096 : i32
    %mul3A_132 = arith.muli %mul3A_130, %mul3A_131 : i32
    %add3A_133 = vector.broadcast %mul3A_132 : i32 to vector<2048x1xi32>
    %add3A_134 = arith.addi %add3A_128, %add3A_133 : vector<2048x1xi32>
    %mul3A_135 = arith.constant 2 : i32
    %mul3A_136 = arith.muli %arg0, %mul3A_135 : i32
    %mul3A_137 = arith.constant 4096 : i32
    %mul3A_138 = arith.muli %mul3A_136, %mul3A_137 : i32
    %mul3A_139 = arith.constant 2 : i32
    %mul3A_140 = arith.muli %arg1, %mul3A_139 : i32
    %mul3A_141 = arith.constant 2048 : i32
    %mul3A_142 = arith.muli %mul3A_140, %mul3A_141 : i32
    %add3A_143 = arith.addi %mul3A_138, %mul3A_142 : i32
    %add3A_144 = arith.constant 2048 : i32
    %add3A_145 = arith.addi %add3A_143, %add3A_144 : i32
    %add3A_146 = vector.broadcast %add3A_145 : i32 to vector<2048x1xi32>
    %add3A_147 = arith.addi %add3A_146, %iota3A_46 : vector<2048x1xi32>
    %select_n3A_148 = arith.select %gt3A_45, %add3A_134, %add3A_147 : vector<2048x1xi1>, vector<2048x1xi32>
    %swap3A = arith.constant 0 : index
    %swap3A_149 = arith.constant 0 : index
    %swap3A_150 = arith.constant 0 : index
    %swap3A_151 = vector.load %arg6[%swap3A, %swap3A_149, %swap3A_150] : memref<1x2048x1xi32, #tpu.memory_space<vmem>>, vector<1x2048x1xi32>
    %swap3A_152 = vector.shape_cast %swap3A_151 : vector<1x2048x1xi32> to vector<2048x1xi32>
    %swap3A_153 = vector.shape_cast %select_n3A_148 : vector<2048x1xi32> to vector<1x2048x1xi32>
    tpu.vector_store %arg6[%swap3A, %swap3A_149, %swap3A_150], %swap3A_153 {strides = array<i32>} : memref<1x2048x1xi32, #tpu.memory_space<vmem>>, vector<1x2048x1xi32>,
    %mul3A_154 = arith.constant 2048 : i32
    %mul3A_155 = arith.muli %arg1, %mul3A_154 : i32
    %get3A_156 = arith.constant 0 : index
    %get3A_157 = arith.constant 0 : index
    %get3A_158 = arith.constant 0 : index
    %get3A_159 = arith.index_cast %mul3A_155 : i32 to index
    %get3A_160 = vector.load %arg3[%get3A_156, %get3A_157, %get3A_158, %get3A_159] : memref<1x1x32x4096xf32, #tpu.memory_space<vmem>>, vector<1x1x32x2048xf32>
    %get3A_161 = vector.shape_cast %get3A_160 : vector<1x1x32x2048xf32> to vector<32x2048xf32>
    %slice3A = vector.extract_strided_slice %get3A_161 {offsets = [0, 0], sizes = [32, 128], strides = [1, 1]} : vector<32x2048xf32> to vector<32x128xf32>
    %transpose3A = tpu.transpose %slice3A, [1, 0] : vector<32x128xf32> -> vector<128x32xf32>
    %slice3A_162 = vector.extract_strided_slice %get3A_161 {offsets = [0, 128], sizes = [32, 128], strides = [1, 1]} : vector<32x2048xf32> to vector<32x128xf32>
    %transpose3A_163 = tpu.transpose %slice3A_162, [1, 0] : vector<32x128xf32> -> vector<128x32xf32>
    %slice3A_164 = vector.extract_strided_slice %get3A_161 {offsets = [0, 256], sizes = [32, 128], strides = [1, 1]} : vector<32x2048xf32> to vector<32x128xf32>
    %transpose3A_165 = tpu.transpose %slice3A_164, [1, 0] : vector<32x128xf32> -> vector<128x32xf32>
    %slice3A_166 = vector.extract_strided_slice %get3A_161 {offsets = [0, 384], sizes = [32, 128], strides = [1, 1]} : vector<32x2048xf32> to vector<32x128xf32>
    %transpose3A_167 = tpu.transpose %slice3A_166, [1, 0] : vector<32x128xf32> -> vector<128x32xf32>
    %slice3A_168 = vector.extract_strided_slice %get3A_161 {offsets = [0, 512], sizes = [32, 128], strides = [1, 1]} : vector<32x2048xf32> to vector<32x128xf32>
    %transpose3A_169 = tpu.transpose %slice3A_168, [1, 0] : vector<32x128xf32> -> vector<128x32xf32>
    %slice3A_170 = vector.extract_strided_slice %get3A_161 {offsets = [0, 640], sizes = [32, 128], strides = [1, 1]} : vector<32x2048xf32> to vector<32x128xf32>
    %transpose3A_171 = tpu.transpose %slice3A_170, [1, 0] : vector<32x128xf32> -> vector<128x32xf32>
    %slice3A_172 = vector.extract_strided_slice %get3A_161 {offsets = [0, 768], sizes = [32, 128], strides = [1, 1]} : vector<32x2048xf32> to vector<32x128xf32>
    %transpose3A_173 = tpu.transpose %slice3A_172, [1, 0] : vector<32x128xf32> -> vector<128x32xf32>
    %slice3A_174 = vector.extract_strided_slice %get3A_161 {offsets = [0, 896], sizes = [32, 128], strides = [1, 1]} : vector<32x2048xf32> to vector<32x128xf32>
    %transpose3A_175 = tpu.transpose %slice3A_174, [1, 0] : vector<32x128xf32> -> vector<128x32xf32>
    %slice3A_176 = vector.extract_strided_slice %get3A_161 {offsets = [0, 1024], sizes = [32, 128], strides = [1, 1]} : vector<32x2048xf32> to vector<32x128xf32>
    %transpose3A_177 = tpu.transpose %slice3A_176, [1, 0] : vector<32x128xf32> -> vector<128x32xf32>
    %slice3A_178 = vector.extract_strided_slice %get3A_161 {offsets = [0, 1152], sizes = [32, 128], strides = [1, 1]} : vector<32x2048xf32> to vector<32x128xf32>
    %transpose3A_179 = tpu.transpose %slice3A_178, [1, 0] : vector<32x128xf32> -> vector<128x32xf32>
    %slice3A_180 = vector.extract_strided_slice %get3A_161 {offsets = [0, 1280], sizes = [32, 128], strides = [1, 1]} : vector<32x2048xf32> to vector<32x128xf32>
    %transpose3A_181 = tpu.transpose %slice3A_180, [1, 0] : vector<32x128xf32> -> vector<128x32xf32>
    %slice3A_182 = vector.extract_strided_slice %get3A_161 {offsets = [0, 1408], sizes = [32, 128], strides = [1, 1]} : vector<32x2048xf32> to vector<32x128xf32>
    %transpose3A_183 = tpu.transpose %slice3A_182, [1, 0] : vector<32x128xf32> -> vector<128x32xf32>
    %slice3A_184 = vector.extract_strided_slice %get3A_161 {offsets = [0, 1536], sizes = [32, 128], strides = [1, 1]} : vector<32x2048xf32> to vector<32x128xf32>
    %transpose3A_185 = tpu.transpose %slice3A_184, [1, 0] : vector<32x128xf32> -> vector<128x32xf32>
    %slice3A_186 = vector.extract_strided_slice %get3A_161 {offsets = [0, 1664], sizes = [32, 128], strides = [1, 1]} : vector<32x2048xf32> to vector<32x128xf32>
    %transpose3A_187 = tpu.transpose %slice3A_186, [1, 0] : vector<32x128xf32> -> vector<128x32xf32>
    %slice3A_188 = vector.extract_strided_slice %get3A_161 {offsets = [0, 1792], sizes = [32, 128], strides = [1, 1]} : vector<32x2048xf32> to vector<32x128xf32>
    %transpose3A_189 = tpu.transpose %slice3A_188, [1, 0] : vector<32x128xf32> -> vector<128x32xf32>
    %slice3A_190 = vector.extract_strided_slice %get3A_161 {offsets = [0, 1920], sizes = [32, 128], strides = [1, 1]} : vector<32x2048xf32> to vector<32x128xf32>
    %transpose3A_191 = tpu.transpose %slice3A_190, [1, 0] : vector<32x128xf32> -> vector<128x32xf32>
    %concatenate3A_192 = tpu.concatenate %transpose3A, %transpose3A_163, %transpose3A_165, %transpose3A_167 in 1 : vector<128x32xf32>, vector<128x32xf32>, vector<128x32xf32>, vector<128x32xf32> -> vector<128x128xf32>
    %concatenate3A_193 = tpu.concatenate %transpose3A_169, %transpose3A_171, %transpose3A_173, %transpose3A_175 in 1 : vector<128x32xf32>, vector<128x32xf32>, vector<128x32xf32>, vector<128x32xf32> -> vector<128x128xf32>
    %concatenate3A_194 = tpu.concatenate %transpose3A_177, %transpose3A_179, %transpose3A_181, %transpose3A_183 in 1 : vector<128x32xf32>, vector<128x32xf32>, vector<128x32xf32>, vector<128x32xf32> -> vector<128x128xf32>
    %concatenate3A_195 = tpu.concatenate %transpose3A_185, %transpose3A_187, %transpose3A_189, %transpose3A_191 in 1 : vector<128x32xf32>, vector<128x32xf32>, vector<128x32xf32>, vector<128x32xf32> -> vector<128x128xf32>
    %concatenate3A_196 = tpu.concatenate %concatenate3A_192, %concatenate3A_193, %concatenate3A_194, %concatenate3A_195 in 0 : vector<128x128xf32>, vector<128x128xf32>, vector<128x128xf32>, vector<128x128xf32> -> vector<512x128xf32>
    %broadcast_in_dim3A_197 = arith.constant 0.000000e+00 : f32
    %broadcast_in_dim3A_198 = vector.broadcast %broadcast_in_dim3A_197 : f32 to vector<512x128xf32>
    %concatenate3A_199 = tpu.concatenate %concatenate3A_196, %broadcast_in_dim3A_198 in 0 : vector<512x128xf32>, vector<512x128xf32> -> vector<1024x128xf32>
    %swap3A_200 = arith.constant 0 : index
    %swap3A_201 = arith.constant 0 : index
    %swap3A_202 = vector.load %arg7[%swap3A_200, %swap3A_201] : memref<1024x128xf32, #tpu.memory_space<vmem>>, vector<1024x128xf32>
    tpu.vector_store %arg7[%swap3A_200, %swap3A_201], %concatenate3A_199 {strides = array<i32>} : memref<1024x128xf32, #tpu.memory_space<vmem>>, vector<1024x128xf32>,
    return
  }
  func.func @transform_0(%arg0: i32, %arg1: i32) -> (i32, i32, i32, i32) {
    %c0_i32 = arith.constant 0 : i32
    %c0_i32_0 = arith.constant 0 : i32
    %c0_i32_1 = arith.constant 0 : i32
    return %arg0, %c0_i32, %c0_i32_0, %arg1 : i32, i32, i32, i32
  }
  func.func @transform_1(%arg0: i32, %arg1: i32) -> (i32, i32, i32, i32) {
    %c1_i32 = arith.constant 1 : i32
    %c0_i32 = arith.constant 0 : i32
    %c0_i32_0 = arith.constant 0 : i32
    %c0_i32_1 = arith.constant 0 : i32
    return %arg0, %c1_i32, %c0_i32, %c0_i32_0 : i32, i32, i32, i32
  }
  func.func @transform_2(%arg0: i32, %arg1: i32) -> (i32, i32) {
    %c0_i32 = arith.constant 0 : i32
    %c0_i32_0 = arith.constant 0 : i32
    %c0_i32_1 = arith.constant 0 : i32
    return %c0_i32, %c0_i32_0 : i32, i32
  }
  func.func @transform_3(%arg0: i32, %arg1: i32) -> (i32, i32) {
    %c0_i32 = arith.constant 0 : i32
    %c0_i32_0 = arith.constant 0 : i32
    return %arg1, %c0_i32 : i32, i32
  }
  func.func @transform_4(%arg0: i32, %arg1: i32) -> (i32, i32, i32) {
    %c0_i32 = arith.constant 0 : i32
    %c0_i32_0 = arith.constant 0 : i32
    return %arg0, %arg1, %c0_i32 : i32, i32, i32
  }
  func.func @transform_5(%arg0: i32, %arg1: i32) -> (i32, i32) {
    %mul3A = arith.constant 2 : i32
    %mul3A_0 = arith.muli %arg0, %mul3A : i32
    %add3A = arith.addi %mul3A_0, %arg1 : i32
    %c0_i32 = arith.constant 0 : i32
    %c0_i32_1 = arith.constant 0 : i32
    return %add3A, %c0_i32 : i32, i32
  }
}

</mosaic_0001>

<sc_bundles>
// kernel: kernel.4.cloned.1.call-start
scs
__scs_entry_jumppad:
0x0: {  	(pc) =	sbr.rel $0x88, $3  }
0x1: {  	(tag) =	ssettag $0x0;
	lr =	simm.s32 $0x1  }
0x2: {  	[smem:$0x3F9F] =	sst lr;
	_ =	strace $0xD0000000  }
0x3: {  	_ = 	snop  }
0x4: {  	_ = 	snop  }
0x5: {  	_ = 	snop  }
0x6: {  	_ = 	snop  }
0x7: {  	_ = 	snop  }
__scs_overlays_trampoline_lowered:
0x8: {  	[smem:$0x3FAE] =	sst s0  }
0x9: {  	[smem:$0x3FAF] =	sst s1  }
0xa: {  	[smem:$0x3FB0] =	sst s2  }
0xb: {  	[smem:$0x3FB1] =	sst s3  }
0xc: {  	[smem:$0x3FB2] =	sst s4  }
0xd: {  	[smem:$0x3FB3] =	sst s5  }
0xe: {  	[smem:$0x3FB4] =	sst s6  }
0xf: {  	[smem:$0x3FB5] =	sst s7  }
0x10: {  	[smem:$0x3FB6] =	sst s8  }
0x11: {  	[smem:$0x3FB7] =	sst s9;
	s0 =	simm.s32 @!p0 $0x0  }
0x12: {  	s1 =	sld [smem:$0x3F9D];
	s0 =	simm.s32 @p0 $0x1  }
0x13: {  	[smem:$0x3FB8] =	sst s0;
	s0 =	simm.s32 @!p1 $0x0  }
0x14: {  	s2 =	sld [smem:$0x3F9C];
	s0 =	simm.s32 @p1 $0x1  }
0x15: {  	[smem:$0x3FB9] =	sst s0;
	s0 =	simm.s32 @!p2 $0x0  }
0x16: {  	s3 =	sld [smem:$0x3FDB];
	s0 =	simm.s32 @p2 $0x1  }
0x17: {  	s4 =	simm.s32 $0x1BF5;
	[smem:$0x3FBB] =	sst s0  }
0x18: {  	s0 =	sld [smem:$0x3F9E];
	_ =	swait.ge [sflag:s4], $0x0  }
0x19: {  	s7 =	sld [smem:$0x3F9F]  }
0x1a: {  	s8 =	sadd.s32 $0xFFFFE003, lr  }
0x1b: {  	s9 =	sadd.s32 $0xFFFFFEF7, lr;
	s5 =	simm.s32 $0xFFFFFFFF;
	p2 =	slt.u32 s8, $0xFFFFF086  }
0x1c: {  	p1 =	slt.u32 s9, $0xF7A;
	s5 =	simm.s32 @!p2 $0x0  }
0x1d: {  	s5 =	simm.s32 @p1 $0x1;
	p0 =	seq.s32 s7, s2  }
0x1e: {  	s7 =	smul.u32 @!p0 $0xF7A, s2;
	p2 =	seq.s32 @!p0 s5, $0x0  }
0x1f: {  	s9 =	smul.u32 $0xF7A, s1;
	s8 =	simm.s32 @!p0 $0x1BF5;
	p2 =	por !p2, p0  }
0x20: {  	[sflag:s8] =	ssyncset.s32 @!p0 $0xFFFFF086;
	s6 =	sadd.s32 @!p0 s3, s7;
	s7 =	simm.s32 @!p0 $0x108  }
0x21: {  	s3 =	sadd.s32 s3, s9;
	s6 =	sadd.s32 @!p0 $0x88, s6;
	s7 =	simm.s32 @p2 $0x1082  }
0x22: {  	[simem:s7], [sflag:s8] =	dma.local @!p0 [hbm:s6], $0xF7A  }
0x23: {  	s9 =	sor.u32 $0xD0000000, s2;
	s6 =	simm.s32 $0x108;
	_ =	swait.ge @!p0 [sflag:s8], $0x0  }
0x24: {  	s3 =	sadd.s32 $0x88, s3;
	s6 =	simm.s32 @!p1 $0x1082;
	[sflag:s4] =	ssyncset.s32 $0xFFFFF086  }
0x25: {  	[simem:s6], [sflag:s4] =	dma.local [hbm:s3], $0xF7A  }
0x26: {  	[smem:$0x3F9F] =	sst s1;
	(tag) =	ssettag s2;
	_ =	strace s9  }
0x27: {  	s1 =	sld [smem:$0x3FAF]  }
0x28: {  	s2 =	sld [smem:$0x3FB0]  }
0x29: {  	s4 =	sld [smem:$0x3FB2]  }
0x2a: {  	p0 =	seq.s32 s5, $0x0;
	s5 =	sld [smem:$0x3FB3]  }
0x2b: {  	s6 =	sld [smem:$0x3FB4]  }
0x2c: {  	s7 =	sld [smem:$0x3FB5]  }
0x2d: {  	s3 =	simm.s32 $0x108;
	s8 =	sld [smem:$0x3FB6]  }
0x2e: {  	s3 =	simm.s32 @!p0 $0x1082;
	s9 =	sld [smem:$0x3FB7]  }
0x2f: {  	lr =	sadd.s32 s0, s3;
	s0 =	sld [smem:$0x3FAE]  }
0x30: {  	s3 =	sld [smem:$0x3FB1]  }
0x31: {  	[smem:$0x3FBA] =	sst s10  }
0x32: {  	s10 =	sld [smem:$0x3FB8];
	_ =	sdelay $0x3  }
0x33: {  	p0 =	seq.s32 s10, $0x1;
	s10 =	sld [smem:$0x3FBA];
	_ =	sdelay $0x3  }
0x34: {  	[smem:$0x3FBA] =	sst s10  }
0x35: {  	s10 =	sld [smem:$0x3FB9];
	_ =	sdelay $0x3  }
0x36: {  	p1 =	seq.s32 s10, $0x1;
	s10 =	sld [smem:$0x3FBA];
	_ =	sdelay $0x3  }
0x37: {  	[smem:$0x3FBA] =	sst s10  }
0x38: {  	s10 =	sld [smem:$0x3FBB]  }
0x39: {  	_ = 	snop;
	(pc) =	sbr.ind lr, $3  }
0x3a: {  	_ = 	snop  }
0x3b: {  	_ = 	snop  }
0x3c: {  	p2 =	seq.s32 s10, $0x1;
	s10 =	sld [smem:$0x3FBA]  }
0x3d: {  	_ =	shalt  }
0x3e: {  	_ =	shalt  }
0x3f: {  	_ =	shalt  }
0x40: {  	_ =	shalt  }
0x41: {  	_ =	shalt  }
0x42: {  	_ =	shalt  }
0x43: {  	_ =	shalt  }
0x44: {  	_ =	shalt  }
0x45: {  	_ =	shalt  }
0x46: {  	_ =	shalt  }
0x47: {  	_ =	shalt  }
0x48: {  	_ =	shalt  }
0x49: {  	_ =	shalt  }
0x4a: {  	_ =	shalt  }
0x4b: {  	_ =	shalt  }
0x4c: {  	_ =	shalt  }
0x4d: {  	_ =	shalt  }
0x4e: {  	_ =	shalt  }
0x4f: {  	_ =	shalt  }
0x50: {  	_ =	shalt  }
0x51: {  	_ =	shalt  }
0x52: {  	_ =	shalt  }
0x53: {  	_ =	shalt  }
0x54: {  	_ =	shalt  }
0x55: {  	_ =	shalt  }
0x56: {  	_ =	shalt  }
0x57: {  	_ =	shalt  }
0x58: {  	_ =	shalt  }
0x59: {  	_ =	shalt  }
0x5a: {  	_ =	shalt  }
0x5b: {  	_ =	shalt  }
0x5c: {  	_ =	shalt  }
0x5d: {  	_ =	shalt  }
0x5e: {  	_ =	shalt  }
0x5f: {  	_ =	shalt  }
0x60: {  	_ =	shalt  }
0x61: {  	_ =	shalt  }
0x62: {  	_ =	shalt  }
0x63: {  	_ =	shalt  }
0x64: {  	_ =	shalt  }
0x65: {  	_ =	shalt  }
0x66: {  	_ =	shalt  }
0x67: {  	_ =	shalt  }
0x68: {  	_ =	shalt  }
0x69: {  	_ =	shalt  }
0x6a: {  	_ =	shalt  }
0x6b: {  	_ =	shalt  }
0x6c: {  	_ =	shalt  }
0x6d: {  	_ =	shalt  }
0x6e: {  	_ =	shalt  }
0x6f: {  	_ =	shalt  }
0x70: {  	_ =	shalt  }
0x71: {  	_ =	shalt  }
0x72: {  	_ =	shalt  }
0x73: {  	_ =	shalt  }
0x74: {  	_ =	shalt  }
0x75: {  	_ =	shalt  }
0x76: {  	_ =	shalt  }
0x77: {  	_ =	shalt  }
0x78: {  	_ =	shalt  }
0x79: {  	_ =	shalt  }
0x7a: {  	_ =	shalt  }
0x7b: {  	_ =	shalt  }
0x7c: {  	_ =	shalt  }
0x7d: {  	_ =	shalt  }
0x7e: {  	_ =	shalt  }
0x7f: {  	_ =	shalt  }
0x80: {  	_ =	shalt  }
0x81: {  	_ =	shalt  }
0x82: {  	_ =	shalt  }
0x83: {  	_ =	shalt  }
0x84: {  	_ =	shalt  }
0x85: {  	_ =	shalt  }
0x86: {  	_ =	shalt  }
0x87: {  	_ =	shalt  }
.Lfunc_end0:
.L_simem_size_0:
called_computation_lowered:
.L_overlay_start_0:
0x88: {  	s2 =	sld [smem:$0x3FD9]  }
0x89: {  	s3 =	sld [smem:$0x3FFE];
	_ =	sdelay $0x1  }
0x8a: {  	s1 =	srdreg.scid  }
0x8b: {  	s0 =	sand.u32 $0x1, s1  }
0x8c: {  	s17 =	sshll.u32 s0, $0xA;
	s2 =	sadd.s32 s3, s2  }
0x8d: {  	s2 =	sadd.s32 s2, s17  }
0x8e: {  	[smem:$0x3FC6] =	sst s2  }
0x8f: {  	_ = 	snop  }
0x90: {  	s2 =	sld [smem:$0x3FD0];
	(tm) =	ssettm $0x1  }
0x91: {  	s18 =	sld [smem:$0x3FFB];
	_ =	sdelay $0x3  }
0x92: {  	_ =	strace s18  }
0x93: {  	s3 =	sld [smem:$0x3FFC];
	_ =	sdelay $0x3  }
0x94: {  	_ =	strace s3  }
0x95: {  	s3 =	sld [smem:$0x3FFD];
	_ =	sdelay $0x3  }
0x96: {  	_ =	strace s3  }
0x97: {  	_ =	strace $0x8FFFFFFF  }
0x98: {  	s19 =	sld [smem:$0x3FDB];
	_ =	sdelay $0x1  }
0x99: {  	s4 =	simm.s32 $_scs_section_size  }
0x9a: {  	s5 =	simm.s32 $_size__tile_overlayer_lowered;
	s6 =	simm.s32 $_tile_overlayer_lowered  }
0x9b: {  	s22 =	simm.s32 $0x1BFF;
	s21 =	sshll.u32 s6, $0x1;
	s3 =	sadd.s32 s4, s19  }
0x9c: {  	s7 =	simm.s32 $0x0;
	s20 =	sshll.u32 s5, $0x1;
	s5 =	sadd.s32 s21, s3  }
0x9d: {  	[timem:s7], [sflag:s22] =	dma.local [hbm:s5], s20  }
0x9e: {  	_ =	swait.ge [sflag:s22], s20  }
0x9f: {  	s4 =	ssub.s32 $0x0, s20;
	[sflag:s22] =	ssyncset.done $0x0  }
0xa0: {  	[sflag:s22] =	ssyncadd.s32 s4;
	_ =	sdelay $0x1  }
0xa1: {  	s23 =	simm.s32 $0x1B8B  }
0xa2: {  	_ =	swait.ge [sflag:s23], $0x1  }
0xa3: {  	[sflag:s23] =	ssyncset.done $0x0  }
0xa4: {  	s25 =	simm.s32 $0x1B8E;
	s24 =	sld [smem:$0x3FFE];
	[sflag:s23] =	ssyncadd.s32 $0xFFFFFFFF  }
0xa5: {  	s26 =	simm.s32 $execute0_lowered;
	[smem:$0x3FD2] =	sst s25  }
0xa6: {  	s5 =	sshll.u32 s26, $0x1;
	_ =	strace $0x80000046;
	[dreg:$0x1] =	wrdreg $0xFFFFFFFF  }
0xa7: {  	s28 =	simm.s32 $_size_execute0_lowered;
	s3 =	sadd.s32 s3, s5;
	[dreg:$0x0] =	wrdreg $0x0  }
0xa8: {  	s5 =	sshll.u32 s28, $0x1;
	[dreg:$0x2] =	wrdreg s3  }
0xa9: {  	[dreg:$0x3] =	wrdreg s5  }
0xaa: {  	[dreg:$0x4] =	wrdreg $0xC0  }
0xab: {  	_ =	task [dreg:s7], $0x5FFFF  }
0xac: {  	[dreg:$0x1] =	wrdreg $0xFFFFFFFF  }
0xad: {  	[dreg:$0x0] =	wrdreg $0x60  }
0xae: {  	[dreg:$0x2] =	wrdreg s2  }
0xaf: {  	[dreg:$0x3] =	wrdreg s24  }
0xb0: {  	[dreg:$0x4] =	wrdreg $0x9  }
0xb1: {  	_ =	task.clear_ibuf [dreg:s7], $0x5FFFF;
	_ =	strace $0x90000046  }
0xb2: {  	s29 =	simm.s32 $0x9;
	_ =	strace $0x80000048  }
0xb3: {  	_ =	swait.ge [sflag:s29], $0x1  }
0xb4: {  	[sflag:s29] =	ssyncadd.s32 $0xFFFFFFFF  }
0xb5: {  	_ =	strace $0x90000048  }
0xb6: {  	_ =	sfence  }
0xb7: {  	s30 =	sld [smem:$0x0];
	_ =	sdelay $0x2  }
0xb8: {  	s31 =	sshll.u32 s1, $0xD;
	s1 =	sshrl.u32 s1, $0x2  }
0xb9: {  	s3 =	sand.u32 $0x4000, s31;
	s1 =	sadd.s32 s1, s30  }
0xba: {  	s0 =	sor.u32 s3, s0;
	s1 =	sshll.u32 s1, $0x11  }
0xbb: {  	s0 =	sor.u32 s1, s0  }
0xbc: {  	s0 =	sadd.s32 $0x8F2B, s0  }
0xbd: {  	[sflag:s0] =	ssyncadd.remote.s32 $0x1  }
0xbe: {  	_ =	sfence.sel $0xFFFF  }
0xbf: {  	[dreg:$0x0] =	wrdreg $0xFFFFFFFF;
	(pc) =	sbr.abs _section_cstart, $3  }
0xc0: {  	[dreg:$0x1] =	wrdreg $0xFFFFFFFF  }
0xc1: {  	_ =	task.clear_ibuf [dreg:s7], $0x2FFFF;
	_ =	strace $0x9FFFFFFF  }
0xc2: {  	(tm) =	ssettm $0x7FFFFFFF  }
0xc3: {  	_ =	shalt  }
tec
execute0_lowered:
.L_overlay_start_1:
0x0: {  	(tag) =	ssettag $0x1  }
0x1: {  	s1 =	srdreg.scid;
	s0 =	stileid.u32  }
0x2: {  	s2 =	rddreg [dreg:$0x0];
	s14 =	sand.u32 $0x1, s1;
	s29 =	sshll.u32 s0, $0x1  }
0x3: {  	s15 =	rddreg [dreg:$0x1];
	s16 =	sor.u32 s14, s29  }
0x4: {  	s3 =	simm.s32 $0x0;
	s1 =	rddreg [dreg:$0x2];
	s4 =	sshll.u32 s16, $0x6  }
0x5: {  	[smem:$0x7FF] =	sst s3;
	s4 =	sadd.s32 s4, s15  }
0x6: {  	_ =	strace $0x80000047;
	s5 =	sadd.s32 $0xC00, s4;
	s4 =	simm.s32 $0x2  }
0x7: {  	[tilespmem:s3], [sflag:$0x2] =	stream.linear.gather [hbm4b:s5+s3], $0x200, $0x38;
	[tilespmem:$0x4200] =	vst v63  }
0x8: {  	_ =	swait.ge [sflag:s4], $0x200  }
0x9: {  	[sflag:s4] =	ssyncset.done $0x0  }
0xa: {  	s6 =	simm.s32 $0x80;
	s7 =	simm.s32 $0x200;
	[sflag:s4] =	ssyncadd.s32 $0xFFFFFE00  }
0xb: {  	[tilespmem:s7], [sflag:$0x1] =	stream.indirect.gather [hbm4b:s2+s6], $0x20, s3, s6, $0xb8;
	[tilespmem:$0x4200] =	vst v63  }
0xc: {  	s8 =	simm.s32 $0x1200  }
0xd: {  	[tilespmem:s8], [sflag:$0x1] =	stream.indirect.gather [hbm4b:s2+s6], $0x20, s6, s6, $0xb8;
	[tilespmem:$0x4200] =	vst v63  }
0xe: {  	s9 =	simm.s32 $0x100;
	s10 =	simm.s32 $0x2200  }
0xf: {  	[tilespmem:s10], [sflag:$0x1] =	stream.indirect.gather [hbm4b:s2+s6], $0x20, s9, s6, $0xb8;
	[tilespmem:$0x4200] =	vst v63  }
0x10: {  	s11 =	simm.s32 $0x180;
	s12 =	simm.s32 $0x3200;
	s13 =	simm.s32 $0x1  }
0x11: {  	[tilespmem:s12], [sflag:$0x1] =	stream.indirect.gather [hbm4b:s2+s6], $0x20, s11, s6, $0xb8;
	[tilespmem:$0x4200] =	vst v63  }
0x12: {  	_ =	swait.ge [sflag:s13], $0x1000  }
0x13: {  	[sflag:s13] =	ssyncset.done $0x0  }
0x14: {  	[sflag:s13] =	ssyncadd.s32 $0xFFFFF000  }
0x15: {  	_ =	swait.ge [sflag:s13], $0x1000  }
0x16: {  	[sflag:s13] =	ssyncset.done $0x0  }
0x17: {  	s14 =	ssub.s32 $0x2, s14;
	[sflag:s13] =	ssyncadd.s32 $0xFFFFF000  }
0x18: {  	s17 =	sshrl.u32 s14, $0x1;
	_ =	swait.ge [sflag:s13], $0x1000  }
0x19: {  	s30 =	ssub.s32 s14, s17;
	[sflag:s13] =	ssyncset.done $0x0  }
0x1a: {  	s31 =	smax.u32 s30, $0x1;
	[sflag:s13] =	ssyncadd.s32 $0xFFFFF000  }
0x1b: {  	s16 =	sshll.u32 s16, $0xB;
	p0 =	sne.s32 s31, $0x1;
	_ =	swait.ge [sflag:s13], $0x1000  }
.Ltmp0:
0x1c: {  	s15 =	sadd.s32 s16, s15;
	[sflag:s13] =	ssyncset.done $0x0;
	(pc) =	sbr.rel @!p0 .LBB2_2-.Ltmp0, $4  }
0x1d: {  	s14 =	sadd.s32 $0x1400, s15;
	[sflag:s13] =	ssyncadd.s32 $0xFFFFF000  }
0x1e: {  	[hbm4b:s14+s3] =	stream.linear.scatter [tilespmem:s7], [sflag:$0x2], $0x4000, $0x38;
	[tilespmem:$0x4200] =	vst v63  }
0x1f: {  	_ =	swait.ge [sflag:s4], $0x4000  }
0x20: {  	s15 =	sadd.s32 $0xFFFFFFFF, s31;
	[sflag:s4] =	ssyncset.done $0x0  }
.LBB2_1:
0x21: {  	p0 =	sne.s32 s15, $0x1;
	s15 =	sadd.s32 $0xFFFFFFFF, s15;
	[sflag:s4] =	ssyncadd.s32 $0xFFFFC000  }
0x22: {  	[tilespmem:s3], [sflag:$0x2] =	stream.linear.gather [hbm4b:s5+s3], $0x200, $0x38;
	[tilespmem:$0x4200] =	vst v63  }
0x23: {  	_ =	swait.ge [sflag:s4], $0x200  }
0x24: {  	[sflag:s4] =	ssyncset.done $0x0  }
0x25: {  	[sflag:s4] =	ssyncadd.s32 $0xFFFFFE00  }
0x26: {  	[tilespmem:s7], [sflag:$0x1] =	stream.indirect.gather [hbm4b:s2+s6], $0x20, s3, s6, $0xb8;
	[tilespmem:$0x4200] =	vst v63  }
0x27: {  	_ = 	snop  }
0x28: {  	[tilespmem:s8], [sflag:$0x1] =	stream.indirect.gather [hbm4b:s2+s6], $0x20, s6, s6, $0xb8;
	[tilespmem:$0x4200] =	vst v63  }
0x29: {  	_ = 	snop  }
0x2a: {  	[tilespmem:s10], [sflag:$0x1] =	stream.indirect.gather [hbm4b:s2+s6], $0x20, s9, s6, $0xb8;
	[tilespmem:$0x4200] =	vst v63  }
0x2b: {  	_ = 	snop  }
0x2c: {  	[tilespmem:s12], [sflag:$0x1] =	stream.indirect.gather [hbm4b:s2+s6], $0x20, s11, s6, $0xb8;
	[tilespmem:$0x4200] =	vst v63  }
0x2d: {  	_ =	swait.ge [sflag:s13], $0x1000  }
0x2e: {  	[sflag:s13] =	ssyncset.done $0x0  }
0x2f: {  	[sflag:s13] =	ssyncadd.s32 $0xFFFFF000  }
0x30: {  	_ =	swait.ge [sflag:s13], $0x1000  }
0x31: {  	[sflag:s13] =	ssyncset.done $0x0  }
0x32: {  	[sflag:s13] =	ssyncadd.s32 $0xFFFFF000  }
0x33: {  	_ =	swait.ge [sflag:s13], $0x1000  }
0x34: {  	[sflag:s13] =	ssyncset.done $0x0  }
0x35: {  	[sflag:s13] =	ssyncadd.s32 $0xFFFFF000  }
0x36: {  	_ =	swait.ge [sflag:s13], $0x1000  }
.Ltmp1:
0x37: {  	[sflag:s13] =	ssyncset.done $0x0;
	(pc) =	sbr.rel @p0 .LBB2_1-.Ltmp1, $4  }
0x38: {  	[sflag:s13] =	ssyncadd.s32 $0xFFFFF000  }
0x39: {  	[hbm4b:s14+s3] =	stream.linear.scatter [tilespmem:s7], [sflag:$0x2], $0x4000, $0x38;
	[tilespmem:$0x4200] =	vst v63  }
0x3a: {  	_ =	swait.ge [sflag:s4], $0x4000  }
0x3b: {  	[sflag:s4] =	ssyncset.done $0x0  }
.LBB2_2:
0x3c: {  	[sflag:s4] =	ssyncadd.s32 $0xFFFFC000  }
0x3d: {  	_ =	sfence.sel $0x180000  }
0x3e: {  	[bflag:$0x0] =	sbarrier.arrive $0xFFFF  }
0x3f: {  	p0 =	sne.s32 s0, $0x0;
	_ =	strace $0x90000047  }
0x40: {  	s0 =	sadd.s32 @!p0 $0x100000, s1;
	[bflag:$0x2] =	sbarrier.arrive $0xFFFF  }
0x41: {  	[sflag:s0] =	ssyncadd.tile.s32 @!p0 $0x1;
	_ =	shalt  }
.Lfunc_end2:
_tile_overlayer_lowered:
.L_overlay_start_2:
0x42: {  	(tag) =	ssettag $0x2  }
0x43: {  	s0 =	rddreg [dreg:$0x0];
	s2 =	stileid.u32  }
0x44: {  	s1 =	rddreg [dreg:$0x1];
	p0 =	sne.s32 s2, $0x0  }
0x45: {  	s3 =	rddreg [dreg:$0x2];
	[bflag:$0x3] =	sbarrier.arrive $0xFFFF;
	s2 =	simm.s32 @!p0 $0x1C02  }
0x46: {  	[timem:s3], [sflag:s2] =	dma.local @!p0 [hbm:s0], s1  }
0x47: {  	s0 =	simm.s32 @!p0 $0x2  }
0x48: {  	_ =	swait.ge @!p0 [sflag:s0], s1  }
0x49: {  	s1 =	ssub.s32 @!p0 $0x0, s1;
	[sflag:s0] =	ssyncset.done @!p0 $0x0  }
0x4a: {  	[sflag:s0] =	ssyncadd.s32 @!p0 s1  }
0x4b: {  	[bflag:$0x3] =	sbarrier.arrive $0xFFFF  }
0x4c: {  	_ =	shalt  }

</sc_bundles>
